<compile_context>
chip_gen: v7x
topology: tpu7x:2x2x1
jax: 0.10.2.dev20260603
libtpu: 0.0.44.dev20260713+nightly
codegen_flags: <defaults>
</compile_context>

<pallas_src>
import functools

import jax
import jax.numpy as jnp
from jax import lax
from jax.experimental import pallas as pl
from jax.experimental.pallas import tpu as pltpu
from jax.experimental.pallas import tpu_sc as plsc

VOCAB = 1000000
EMB = 64
HID = 100
B = 1024
T = 200
GP = 128
NG = 4 * GP

NW = 32
TOT = B * T
PER_W = TOT // NW
CHUNK = 128
NCH = PER_W // CHUNK


def _gather_sc(emb, idx3):
    mesh = plsc.VectorSubcoreMesh(core_axis_name="c", subcore_axis_name="s")

    @functools.partial(
        pl.kernel,
        mesh=mesh,
        out_type=jax.ShapeDtypeStruct((TOT, EMB), jnp.float32),
        scratch_types=[
            pltpu.VMEM((NCH, CHUNK), jnp.int32),
            pltpu.VMEM((CHUNK, EMB), jnp.float32),
            pltpu.VMEM((CHUNK, EMB), jnp.float32),
            pltpu.SemaphoreType.DMA,
            pltpu.SemaphoreType.DMA,
        ],
        compiler_params=pltpu.CompilerParams(use_tc_tiling_on_sc=False),
    )
    def k(emb_hbm, idx_hbm, out_hbm, idx_v, rows_a, rows_b, sem_a, sem_b):
        wid = lax.axis_index("s") * 2 + lax.axis_index("c")
        pltpu.sync_copy(idx_hbm.at[wid], idx_v)
        base = wid * PER_W

        pltpu.async_copy(emb_hbm.at[idx_v.at[0]], rows_a, sem_a)

        def body(kk, carry):
            j = 2 * kk
            pltpu.async_copy(emb_hbm.at[idx_v.at[j + 1]], rows_b, sem_b)
            pltpu.make_async_copy(emb_hbm.at[idx_v.at[j]], rows_a, sem_a).wait()
            pltpu.sync_copy(rows_a, out_hbm.at[pl.ds(base + j * CHUNK, CHUNK)])

            @pl.when(j + 2 < NCH)
            def _():
                pltpu.async_copy(emb_hbm.at[idx_v.at[j + 2]], rows_a, sem_a)

            pltpu.make_async_copy(
                emb_hbm.at[idx_v.at[j + 1]], rows_b, sem_b).wait()
            pltpu.sync_copy(
                rows_b, out_hbm.at[pl.ds(base + (j + 1) * CHUNK, CHUNK)])
            return carry

        lax.fori_loop(0, NCH // 2, body, 0)

    return k(emb, idx3)


TS = 4
NT = T // TS


def _lstm_body(e_ref, wih_ref, whh_ref, b_ref, fcw_ref, fcb_ref,
               out_ref, h_ref, c_ref):
    tb = pl.program_id(0)

    @pl.when(tb == 0)
    def _init():
        h_ref[...] = jnp.zeros_like(h_ref)
        c_ref[...] = jnp.zeros_like(c_ref)

    h = h_ref[...]
    c = c_ref[...]
    for k in range(TS):
        e_t = e_ref[:, k * EMB:(k + 1) * EMB].astype(jnp.bfloat16)
        gates = (jnp.dot(e_t, wih_ref[...], preferred_element_type=jnp.float32)
                 + jnp.dot(h.astype(jnp.bfloat16), whh_ref[...],
                           preferred_element_type=jnp.float32)
                 + b_ref[...])
        i = jax.nn.sigmoid(gates[:, 0:GP])
        f = jax.nn.sigmoid(gates[:, GP:2 * GP])
        g = jnp.tanh(gates[:, 2 * GP:3 * GP])
        o = jax.nn.sigmoid(gates[:, 3 * GP:4 * GP])
        c = f * c + i * g
        h = o * jnp.tanh(c)
    h_ref[...] = h
    c_ref[...] = c

    @pl.when(tb == NT - 1)
    def _head():
        out_ref[...] = jax.nn.sigmoid(
            jnp.sum(h * fcw_ref[...], axis=1, keepdims=True) + fcb_ref[...])


def _lstm_tc(e_bte, wih_p, whh_p, b_p, fcw_p, fcb_p):
    return pl.pallas_call(
        _lstm_body,
        grid=(NT,),
        in_specs=[
            pl.BlockSpec((B, TS * EMB), lambda t: (0, t)),
            pl.BlockSpec((EMB, NG), lambda t: (0, 0)),
            pl.BlockSpec((GP, NG), lambda t: (0, 0)),
            pl.BlockSpec((1, NG), lambda t: (0, 0)),
            pl.BlockSpec((1, GP), lambda t: (0, 0)),
            pl.BlockSpec((1, 1), lambda t: (0, 0)),
        ],
        out_specs=pl.BlockSpec((B, 1), lambda t: (0, 0)),
        out_shape=jax.ShapeDtypeStruct((B, 1), jnp.float32),
        scratch_shapes=[
            pltpu.VMEM((B, GP), jnp.float32),
            pltpu.VMEM((B, GP), jnp.float32),
        ],
    )(e_bte, wih_p, whh_p, b_p, fcw_p, fcb_p)


def kernel(x, emb, W_ih, W_hh, b_ih, b_hh, fc_w, fc_b):
    idx3 = x.astype(jnp.int32).reshape(NW, NCH, CHUNK)
    e = _gather_sc(emb, idx3).reshape(B, T * EMB)

    w_ih4 = W_ih.reshape(4, HID, EMB)
    wih_p = jnp.zeros((4, GP, EMB), jnp.float32).at[:, :HID, :].set(w_ih4)
    wih_p = wih_p.reshape(NG, EMB).T.astype(jnp.bfloat16)
    w_hh4 = W_hh.reshape(4, HID, HID)
    whh_p = jnp.zeros((4, GP, GP), jnp.float32).at[:, :HID, :HID].set(w_hh4)
    whh_p = whh_p.reshape(NG, GP).T.astype(jnp.bfloat16)
    b4 = (b_ih + b_hh).reshape(4, HID)
    b_p = jnp.zeros((4, GP), jnp.float32).at[:, :HID].set(b4).reshape(1, NG)
    fcw_p = jnp.zeros((1, GP), jnp.float32).at[:, :HID].set(fc_w)
    fcb_p = fc_b.reshape(1, 1)

    out = _lstm_tc(e, wih_p, whh_p, b_p, fcw_p, fcb_p)
    return out.reshape(B)

# --- scband reference (transcript-rebuilt; emitter-appended) ---
"""Pipeline reference for scband-sentiment-classifier-16071767621700 (READ-ONLY COPY).

The authoritative reference and input builder live on the scoring server;
editing this copy changes nothing except your own understanding.
"""

import jax, jax.numpy as jnp
import numpy as np

VOCAB = 1000000
EMB = 64
HID = 100
B = 1024
T = 200


def setup_inputs(seed: int = 0) -> dict:
    key = jax.random.key(seed)
    ks = jax.random.split(key, 8)
    x = jax.random.randint(ks[0], (B, T), 0, VOCAB)
    emb = jax.random.normal(ks[1], (VOCAB, EMB), dtype=jnp.float32) * 0.1
    W_ih = jax.random.normal(ks[2], (4 * HID, EMB), dtype=jnp.float32) * 0.05
    W_hh = jax.random.normal(ks[3], (4 * HID, HID), dtype=jnp.float32) * 0.05
    b_ih = jnp.zeros((4 * HID,), dtype=jnp.float32)
    b_hh = jnp.zeros((4 * HID,), dtype=jnp.float32)
    fc_w = jax.random.normal(ks[4], (1, HID), dtype=jnp.float32) * 0.05
    fc_b = jnp.zeros((1,), dtype=jnp.float32)
    return {"x": x, "emb": emb, "W_ih": W_ih, "W_hh": W_hh, "b_ih": b_ih, "b_hh": b_hh, "fc_w": fc_w, "fc_b": fc_b}


def reference(x, emb, W_ih, W_hh, b_ih, b_hh, fc_w, fc_b):
    # Embedding lookup (frozen pretrained table)
    e = jnp.take(emb, x, axis=0)  # [B, T, EMB]

    def step(carry, xt):
        h, c = carry
        gates = xt @ W_ih.T + h @ W_hh.T + b_ih + b_hh
        i, f, g, o = jnp.split(gates, 4, axis=-1)  # PyTorch LSTM gate order: i, f, g, o
        i = jax.nn.sigmoid(i)
        f = jax.nn.sigmoid(f)
        g = jnp.tanh(g)
        o = jax.nn.sigmoid(o)
        c = f * c + i * g
        h = o * jnp.tanh(c)
        return (h, c), None

    h0 = jnp.zeros((x.shape[0], HID), dtype=jnp.float32)
    c0 = jnp.zeros((x.shape[0], HID), dtype=jnp.float32)
    (h_last, _), _ = jax.lax.scan(step, (h0, c0), jnp.swapaxes(e, 0, 1))
    # dropout is identity at inference; fc + sigmoid + squeeze
    out = h_last @ fc_w.T + fc_b
    return jax.nn.sigmoid(out).squeeze()

if __name__ == "__main__":
    import jax
    _d = setup_inputs()
    print(jax.jit(kernel)(*tuple(_d.values())))

</pallas_src>

<mosaic_0001>
#map = affine_map<(d0, d1) -> (0, 0)>
#map1 = affine_map<(d0, d1) -> (0, 0, 0)>
module attributes {stable_mosaic.version = 14 : i64} {
  func.func @k(%arg0: i32, %arg1: i32, %arg2: memref<1000000x64xf32, #tpu.memory_space<hbm>>, %arg3: memref<32x50x128xi32, #tpu.memory_space<hbm>>, %arg4: memref<204800x64xf32, #tpu.memory_space<hbm>>, %arg5: memref<50x128xi32, #tpu.memory_space<vmem>>, %arg6: memref<128x64xf32, #tpu.memory_space<vmem>>, %arg7: memref<128x64xf32, #tpu.memory_space<vmem>>, %arg8: memref<!tpu.dma_semaphore, #tpu.memory_space<semaphore_mem>>, %arg9: memref<!tpu.dma_semaphore, #tpu.memory_space<semaphore_mem>>) attributes {dimension_semantics = [#tpu.dimension_semantics<core_parallel>, #tpu.dimension_semantics<subcore_parallel>], iteration_bounds = array<i64: 2, 16>, scalar_prefetch = 0 : i64, scratch_operands = 5 : i64, tpu.core_type = #tpu.core_type<sc_vector_subcore>, window_params = [{transform_indices = #map}, {transform_indices = #map1}, {transform_indices = #map}]} {
    %mul3A = arith.constant 2 : i32
    %mul3A_0 = arith.muli %arg1, %mul3A : i32
    %add3A = arith.addi %mul3A_0, %arg0 : i32
    "tpu.region"() ({
      %run_scoped3A = tpu.sem_alloc : memref<!tpu.dma_semaphore, #tpu.memory_space<semaphore_mem>>
      %dma_start3A_14 = arith.constant 0 : i32
      %dma_start3A_15 = arith.constant 0 : i32
      %dma_start3A_16 = tpu.memref_slice %arg3[%add3A, %dma_start3A_14, %dma_start3A_15] : memref<32x50x128xi32, #tpu.memory_space<hbm>> -> memref<1x50x128xi32, #tpu.memory_space<hbm>>
      %dma_start3A_17 = tpu.memref_squeeze %dma_start3A_16 : memref<1x50x128xi32, #tpu.memory_space<hbm>> -> memref<50x128xi32, #tpu.memory_space<hbm>>
      %dma_start3A_18 = arith.constant 0 : i32
      %dma_start3A_19 = arith.constant 0 : i32
      %dma_start3A_20 = tpu.memref_slice %arg3[%add3A, %dma_start3A_18, %dma_start3A_19] : memref<32x50x128xi32, #tpu.memory_space<hbm>> -> memref<1x50x128xi32, #tpu.memory_space<hbm>>
      %dma_start3A_21 = tpu.memref_squeeze %dma_start3A_20 : memref<1x50x128xi32, #tpu.memory_space<hbm>> -> memref<50x128xi32, #tpu.memory_space<hbm>>
      tpu.enqueue_dma source(%dma_start3A_21 : memref<50x128xi32, #tpu.memory_space<hbm>>) target(%arg5 : memref<50x128xi32, #tpu.memory_space<vmem>>) target_semaphore(%run_scoped3A : memref<!tpu.dma_semaphore, #tpu.memory_space<semaphore_mem>>)
      %dma_wait3A = arith.constant 0 : i32
      %dma_wait3A_22 = arith.constant 0 : i32
      %dma_wait3A_23 = tpu.memref_slice %arg3[%add3A, %dma_wait3A, %dma_wait3A_22] : memref<32x50x128xi32, #tpu.memory_space<hbm>> -> memref<1x50x128xi32, #tpu.memory_space<hbm>>
      %dma_wait3A_24 = tpu.memref_squeeze %dma_wait3A_23 : memref<1x50x128xi32, #tpu.memory_space<hbm>> -> memref<50x128xi32, #tpu.memory_space<hbm>>
      %dma_wait3A_25 = arith.constant 0 : i32
      %dma_wait3A_26 = arith.constant 0 : i32
      %dma_wait3A_27 = tpu.memref_slice %arg3[%add3A, %dma_wait3A_25, %dma_wait3A_26] : memref<32x50x128xi32, #tpu.memory_space<hbm>> -> memref<1x50x128xi32, #tpu.memory_space<hbm>>
      %dma_wait3A_28 = tpu.memref_squeeze %dma_wait3A_27 : memref<1x50x128xi32, #tpu.memory_space<hbm>> -> memref<50x128xi32, #tpu.memory_space<hbm>>
      tpu.wait_dma2 semaphore(%run_scoped3A : memref<!tpu.dma_semaphore, #tpu.memory_space<semaphore_mem>>) src(%dma_wait3A_28 : memref<50x128xi32, #tpu.memory_space<hbm>>) dst(%arg5 : memref<50x128xi32, #tpu.memory_space<vmem>>)
      tpu.yield
    }) : () -> ()
    %mul3A_1 = arith.constant 6400 : i32
    %mul3A_2 = arith.muli %add3A, %mul3A_1 : i32
    %dma_start3A = arith.constant 0 : i32
    %dma_start3A_3 = arith.constant 0 : i32
    %dma_start3A_4 = tpu.memref_slice %arg5[%dma_start3A, %dma_start3A_3] : memref<50x128xi32, #tpu.memory_space<vmem>> -> memref<1x128xi32, #tpu.memory_space<vmem>>
    %dma_start3A_5 = tpu.memref_squeeze %dma_start3A_4 : memref<1x128xi32, #tpu.memory_space<vmem>> -> memref<128xi32, #tpu.memory_space<vmem>>
    %dma_start3A_6 = arith.constant 0 : i32
    %dma_start3A_7 = arith.constant 0 : i32
    %dma_start3A_8 = tpu.memref_slice %arg2[%dma_start3A_6, %dma_start3A_7] : memref<1000000x64xf32, #tpu.memory_space<hbm>> -> memref<1000000x64xf32, #tpu.memory_space<hbm>>
    tpu.enqueue_indirect_dma source(%dma_start3A_8 : memref<1000000x64xf32, #tpu.memory_space<hbm>>) target(%arg6 : memref<128x64xf32, #tpu.memory_space<vmem>>) offsets(%dma_start3A_5 : memref<128xi32, #tpu.memory_space<vmem>>) semaphore(%arg8 : memref<!tpu.dma_semaphore, #tpu.memory_space<semaphore_mem>>)
    %scan3A = arith.constant 0 : i32
    %scan3A_9 = arith.constant 0 : i32
    %scan3A_10 = arith.constant 25 : i32
    %scan3A_11 = arith.addi %scan3A_9, %scan3A_10 : i32
    %scan3A_12 = arith.constant 1 : i32
    scf.for %scan3A_14 = %scan3A_9 to %scan3A_11 step %scan3A_12  : i32 {
      %mul3A_15 = arith.constant 2 : i32
      %mul3A_16 = arith.muli %mul3A_15, %scan3A_14 : i32
      %add3A_17 = arith.constant 1 : i32
      %add3A_18 = arith.addi %mul3A_16, %add3A_17 : i32
      %dma_start3A_19 = arith.constant 0 : i32
      %dma_start3A_20 = tpu.memref_slice %arg5[%add3A_18, %dma_start3A_19] : memref<50x128xi32, #tpu.memory_space<vmem>> -> memref<1x128xi32, #tpu.memory_space<vmem>>
      %dma_start3A_21 = tpu.memref_squeeze %dma_start3A_20 : memref<1x128xi32, #tpu.memory_space<vmem>> -> memref<128xi32, #tpu.memory_space<vmem>>
      %dma_start3A_22 = arith.constant 0 : i32
      %dma_start3A_23 = arith.constant 0 : i32
      %dma_start3A_24 = tpu.memref_slice %arg2[%dma_start3A_22, %dma_start3A_23] : memref<1000000x64xf32, #tpu.memory_space<hbm>> -> memref<1000000x64xf32, #tpu.memory_space<hbm>>
      tpu.enqueue_indirect_dma source(%dma_start3A_24 : memref<1000000x64xf32, #tpu.memory_space<hbm>>) target(%arg7 : memref<128x64xf32, #tpu.memory_space<vmem>>) offsets(%dma_start3A_21 : memref<128xi32, #tpu.memory_space<vmem>>) semaphore(%arg9 : memref<!tpu.dma_semaphore, #tpu.memory_space<semaphore_mem>>)
      %dma_wait3A = arith.constant 0 : i32
      %dma_wait3A_25 = tpu.memref_slice %arg5[%mul3A_16, %dma_wait3A] : memref<50x128xi32, #tpu.memory_space<vmem>> -> memref<1x128xi32, #tpu.memory_space<vmem>>
      %dma_wait3A_26 = tpu.memref_squeeze %dma_wait3A_25 : memref<1x128xi32, #tpu.memory_space<vmem>> -> memref<128xi32, #tpu.memory_space<vmem>>
      %dma_wait3A_27 = arith.constant 0 : i32
      %dma_wait3A_28 = arith.constant 0 : i32
      %dma_wait3A_29 = tpu.memref_slice %arg2[%dma_wait3A_27, %dma_wait3A_28] : memref<1000000x64xf32, #tpu.memory_space<hbm>> -> memref<1000000x64xf32, #tpu.memory_space<hbm>>
      tpu.wait_indirect_dma semaphore(%arg8 : memref<!tpu.dma_semaphore, #tpu.memory_space<semaphore_mem>>) src(%dma_wait3A_29 : memref<1000000x64xf32, #tpu.memory_space<hbm>>) dst(%arg6 : memref<128x64xf32, #tpu.memory_space<vmem>>)
      %mul3A_30 = arith.constant 128 : i32
      %mul3A_31 = arith.muli %mul3A_16, %mul3A_30 : i32
      %add3A_32 = arith.addi %mul3A_2, %mul3A_31 : i32
      "tpu.region"() ({
        %run_scoped3A = tpu.sem_alloc : memref<!tpu.dma_semaphore, #tpu.memory_space<semaphore_mem>>
        %dma_start3A_50 = arith.constant 0 : i32
        %dma_start3A_51 = tpu.memref_slice %arg4[%add3A_32, %dma_start3A_50] : memref<204800x64xf32, #tpu.memory_space<hbm>> -> memref<128x64xf32, #tpu.memory_space<hbm>>
        %dma_start3A_52 = arith.constant 0 : i32
        %dma_start3A_53 = tpu.memref_slice %arg4[%add3A_32, %dma_start3A_52] : memref<204800x64xf32, #tpu.memory_space<hbm>> -> memref<128x64xf32, #tpu.memory_space<hbm>>
        tpu.enqueue_dma source(%arg6 : memref<128x64xf32, #tpu.memory_space<vmem>>) target(%dma_start3A_53 : memref<128x64xf32, #tpu.memory_space<hbm>>) target_semaphore(%run_scoped3A : memref<!tpu.dma_semaphore, #tpu.memory_space<semaphore_mem>>)
        %dma_wait3A_54 = arith.constant 0 : i32
        %dma_wait3A_55 = tpu.memref_slice %arg4[%add3A_32, %dma_wait3A_54] : memref<204800x64xf32, #tpu.memory_space<hbm>> -> memref<128x64xf32, #tpu.memory_space<hbm>>
        %dma_wait3A_56 = arith.constant 0 : i32
        %dma_wait3A_57 = tpu.memref_slice %arg4[%add3A_32, %dma_wait3A_56] : memref<204800x64xf32, #tpu.memory_space<hbm>> -> memref<128x64xf32, #tpu.memory_space<hbm>>
        tpu.wait_dma2 semaphore(%run_scoped3A : memref<!tpu.dma_semaphore, #tpu.memory_space<semaphore_mem>>) src(%arg6 : memref<128x64xf32, #tpu.memory_space<vmem>>) dst(%dma_wait3A_57 : memref<128x64xf32, #tpu.memory_space<hbm>>)
        tpu.yield
      }) : () -> ()
      %add3A_33 = arith.constant 2 : i32
      %add3A_34 = arith.addi %mul3A_16, %add3A_33 : i32
      %lt3A = arith.constant 50 : i32
      %lt3A_35 = arith.cmpi slt, %add3A_34, %lt3A : i32
      %convert_element_type3A = arith.extui %lt3A_35 : i1 to i32
      %cond3A = arith.constant 0 : i32
      %cond3A_36 = arith.cmpi ne, %convert_element_type3A, %cond3A : i32
      scf.if %cond3A_36 {
        %add3A_50 = arith.constant 2 : i32
        %add3A_51 = arith.addi %mul3A_16, %add3A_50 : i32
        %dma_start3A_52 = arith.constant 0 : i32
        %dma_start3A_53 = tpu.memref_slice %arg5[%add3A_51, %dma_start3A_52] : memref<50x128xi32, #tpu.memory_space<vmem>> -> memref<1x128xi32, #tpu.memory_space<vmem>>
        %dma_start3A_54 = tpu.memref_squeeze %dma_start3A_53 : memref<1x128xi32, #tpu.memory_space<vmem>> -> memref<128xi32, #tpu.memory_space<vmem>>
        %dma_start3A_55 = arith.constant 0 : i32
        %dma_start3A_56 = arith.constant 0 : i32
        %dma_start3A_57 = tpu.memref_slice %arg2[%dma_start3A_55, %dma_start3A_56] : memref<1000000x64xf32, #tpu.memory_space<hbm>> -> memref<1000000x64xf32, #tpu.memory_space<hbm>>
        tpu.enqueue_indirect_dma source(%dma_start3A_57 : memref<1000000x64xf32, #tpu.memory_space<hbm>>) target(%arg6 : memref<128x64xf32, #tpu.memory_space<vmem>>) offsets(%dma_start3A_54 : memref<128xi32, #tpu.memory_space<vmem>>) semaphore(%arg8 : memref<!tpu.dma_semaphore, #tpu.memory_space<semaphore_mem>>)
      } else {
      }
      %add3A_37 = arith.constant 1 : i32
      %add3A_38 = arith.addi %mul3A_16, %add3A_37 : i32
      %dma_wait3A_39 = arith.constant 0 : i32
      %dma_wait3A_40 = tpu.memref_slice %arg5[%add3A_38, %dma_wait3A_39] : memref<50x128xi32, #tpu.memory_space<vmem>> -> memref<1x128xi32, #tpu.memory_space<vmem>>
      %dma_wait3A_41 = tpu.memref_squeeze %dma_wait3A_40 : memref<1x128xi32, #tpu.memory_space<vmem>> -> memref<128xi32, #tpu.memory_space<vmem>>
      %dma_wait3A_42 = arith.constant 0 : i32
      %dma_wait3A_43 = arith.constant 0 : i32
      %dma_wait3A_44 = tpu.memref_slice %arg2[%dma_wait3A_42, %dma_wait3A_43] : memref<1000000x64xf32, #tpu.memory_space<hbm>> -> memref<1000000x64xf32, #tpu.memory_space<hbm>>
      tpu.wait_indirect_dma semaphore(%arg9 : memref<!tpu.dma_semaphore, #tpu.memory_space<semaphore_mem>>) src(%dma_wait3A_44 : memref<1000000x64xf32, #tpu.memory_space<hbm>>) dst(%arg7 : memref<128x64xf32, #tpu.memory_space<vmem>>)
      %add3A_45 = arith.constant 1 : i32
      %add3A_46 = arith.addi %mul3A_16, %add3A_45 : i32
      %mul3A_47 = arith.constant 128 : i32
      %mul3A_48 = arith.muli %add3A_46, %mul3A_47 : i32
      %add3A_49 = arith.addi %mul3A_2, %mul3A_48 : i32
      "tpu.region"() ({
        %run_scoped3A = tpu.sem_alloc : memref<!tpu.dma_semaphore, #tpu.memory_space<semaphore_mem>>
        %dma_start3A_50 = arith.constant 0 : i32
        %dma_start3A_51 = tpu.memref_slice %arg4[%add3A_49, %dma_start3A_50] : memref<204800x64xf32, #tpu.memory_space<hbm>> -> memref<128x64xf32, #tpu.memory_space<hbm>>
        %dma_start3A_52 = arith.constant 0 : i32
        %dma_start3A_53 = tpu.memref_slice %arg4[%add3A_49, %dma_start3A_52] : memref<204800x64xf32, #tpu.memory_space<hbm>> -> memref<128x64xf32, #tpu.memory_space<hbm>>
        tpu.enqueue_dma source(%arg7 : memref<128x64xf32, #tpu.memory_space<vmem>>) target(%dma_start3A_53 : memref<128x64xf32, #tpu.memory_space<hbm>>) target_semaphore(%run_scoped3A : memref<!tpu.dma_semaphore, #tpu.memory_space<semaphore_mem>>)
        %dma_wait3A_54 = arith.constant 0 : i32
        %dma_wait3A_55 = tpu.memref_slice %arg4[%add3A_49, %dma_wait3A_54] : memref<204800x64xf32, #tpu.memory_space<hbm>> -> memref<128x64xf32, #tpu.memory_space<hbm>>
        %dma_wait3A_56 = arith.constant 0 : i32
        %dma_wait3A_57 = tpu.memref_slice %arg4[%add3A_49, %dma_wait3A_56] : memref<204800x64xf32, #tpu.memory_space<hbm>> -> memref<128x64xf32, #tpu.memory_space<hbm>>
        tpu.wait_dma2 semaphore(%run_scoped3A : memref<!tpu.dma_semaphore, #tpu.memory_space<semaphore_mem>>) src(%arg7 : memref<128x64xf32, #tpu.memory_space<vmem>>) dst(%dma_wait3A_57 : memref<128x64xf32, #tpu.memory_space<hbm>>)
        tpu.yield
      }) : () -> ()
    }
    %scan3A_13 = arith.constant 25 : i32
    return
  }
}

module attributes {stable_mosaic.version = 14 : i64} {
  func.func @_lstm_body(%arg0: i32, %arg1: memref<1024x256xf32, #tpu.memory_space<vmem>>, %arg2: memref<64x512xbf16, #tpu.memory_space<vmem>>, %arg3: memref<128x512xbf16, #tpu.memory_space<vmem>>, %arg4: memref<1x512xf32, #tpu.memory_space<vmem>>, %arg5: memref<1x128xf32, #tpu.memory_space<vmem>>, %arg6: memref<1x1xf32, #tpu.memory_space<vmem>>, %arg7: memref<1024x1xf32, #tpu.memory_space<vmem>>, %arg8: memref<1024x128xf32, #tpu.memory_space<vmem>>, %arg9: memref<1024x128xf32, #tpu.memory_space<vmem>>) attributes {dimension_semantics = [#tpu.dimension_semantics<arbitrary>], iteration_bounds = array<i64: 50>, scalar_prefetch = 0 : i64, scratch_operands = 2 : i64, tpu.core_type = #tpu.core_type<tc>, window_params = [{transform_indices = @transform_0, window_bounds = array<i64: 1024, 256>}, {pipeline_mode = #tpu.pipeline_mode<synchronous>, transform_indices = @transform_1, window_bounds = array<i64: 64, 512>}, {pipeline_mode = #tpu.pipeline_mode<synchronous>, transform_indices = @transform_2, window_bounds = array<i64: 128, 512>}, {pipeline_mode = #tpu.pipeline_mode<synchronous>, transform_indices = @transform_3, window_bounds = array<i64: 1, 512>}, {pipeline_mode = #tpu.pipeline_mode<synchronous>, transform_indices = @transform_4, window_bounds = array<i64: 1, 128>}, {pipeline_mode = #tpu.pipeline_mode<synchronous>, transform_indices = @transform_5, window_bounds = array<i64: 1, 1>}, {pipeline_mode = #tpu.pipeline_mode<synchronous>, transform_indices = @transform_6, window_bounds = array<i64: 1024, 1>}]} {
    %eq3A = arith.constant 0 : i32
    %eq3A_0 = arith.cmpi eq, %arg0, %eq3A : i32
    %convert_element_type3A = arith.extui %eq3A_0 : i1 to i32
    %cond3A = arith.constant 0 : i32
    %cond3A_1 = arith.cmpi ne, %convert_element_type3A, %cond3A : i32
    scf.if %cond3A_1 {
      %broadcast_in_dim3A = arith.constant 0.000000e+00 : f32
      %broadcast_in_dim3A_207 = vector.broadcast %broadcast_in_dim3A : f32 to vector<1024x128xf32>
      %swap3A_208 = arith.constant 0 : index
      %swap3A_209 = arith.constant 0 : index
      %swap3A_210 = vector.load %arg8[%swap3A_208, %swap3A_209] : memref<1024x128xf32, #tpu.memory_space<vmem>>, vector<1024x128xf32>
      tpu.vector_store %arg8[%swap3A_208, %swap3A_209], %broadcast_in_dim3A_207 {strides = array<i32>} : memref<1024x128xf32, #tpu.memory_space<vmem>>, vector<1024x128xf32>,
      %broadcast_in_dim3A_211 = arith.constant 0.000000e+00 : f32
      %broadcast_in_dim3A_212 = vector.broadcast %broadcast_in_dim3A_211 : f32 to vector<1024x128xf32>
      %swap3A_213 = arith.constant 0 : index
      %swap3A_214 = arith.constant 0 : index
      %swap3A_215 = vector.load %arg9[%swap3A_213, %swap3A_214] : memref<1024x128xf32, #tpu.memory_space<vmem>>, vector<1024x128xf32>
      tpu.vector_store %arg9[%swap3A_213, %swap3A_214], %broadcast_in_dim3A_212 {strides = array<i32>} : memref<1024x128xf32, #tpu.memory_space<vmem>>, vector<1024x128xf32>,
    } else {
    }
    %get3A = arith.constant 0 : index
    %get3A_2 = arith.constant 0 : index
    %get3A_3 = vector.load %arg8[%get3A, %get3A_2] : memref<1024x128xf32, #tpu.memory_space<vmem>>, vector<1024x128xf32>
    %get3A_4 = arith.constant 0 : index
    %get3A_5 = arith.constant 0 : index
    %get3A_6 = vector.load %arg9[%get3A_4, %get3A_5] : memref<1024x128xf32, #tpu.memory_space<vmem>>, vector<1024x128xf32>
    %get3A_7 = arith.constant 0 : index
    %get3A_8 = arith.constant 0 : index
    %get3A_9 = vector.load %arg1[%get3A_7, %get3A_8] : memref<1024x256xf32, #tpu.memory_space<vmem>>, vector<1024x64xf32>
    %convert_element_type3A_10 = arith.truncf %get3A_9 : vector<1024x64xf32> to vector<1024x64xbf16>
    %get3A_11 = arith.constant 0 : index
    %get3A_12 = arith.constant 0 : index
    %get3A_13 = vector.load %arg2[%get3A_11, %get3A_12] : memref<64x512xbf16, #tpu.memory_space<vmem>>, vector<64x512xbf16>
    %dot_general3A = arith.constant dense<0.000000e+00> : vector<1024x512xf32>
    %dot_general3A_14 = tpu.matmul %convert_element_type3A_10, %get3A_13, %dot_general3A {dimension_numbers = #tpu.dot_dimension_numbers<[1], [0], [0], [1], [0, 0, 1, 1], [], []>, transpose_lhs_hint = false} : vector<1024x64xbf16>, vector<64x512xbf16>, vector<1024x512xf32> -> vector<1024x512xf32>
    %convert_element_type3A_15 = arith.truncf %get3A_3 : vector<1024x128xf32> to vector<1024x128xbf16>
    %get3A_16 = arith.constant 0 : index
    %get3A_17 = arith.constant 0 : index
    %get3A_18 = vector.load %arg3[%get3A_16, %get3A_17] : memref<128x512xbf16, #tpu.memory_space<vmem>>, vector<128x512xbf16>
    %dot_general3A_19 = arith.constant dense<0.000000e+00> : vector<1024x512xf32>
    %dot_general3A_20 = tpu.matmul %convert_element_type3A_15, %get3A_18, %dot_general3A_19 {dimension_numbers = #tpu.dot_dimension_numbers<[1], [0], [0], [1], [0, 0, 1, 1], [], []>, transpose_lhs_hint = false} : vector<1024x128xbf16>, vector<128x512xbf16>, vector<1024x512xf32> -> vector<1024x512xf32>
    %add3A = arith.addf %dot_general3A_14, %dot_general3A_20 : vector<1024x512xf32>
    %get3A_21 = arith.constant 0 : index
    %get3A_22 = arith.constant 0 : index
    %get3A_23 = vector.load %arg4[%get3A_21, %get3A_22] : memref<1x512xf32, #tpu.memory_space<vmem>>, vector<1x512xf32>
    %add3A_24 = vector.broadcast %get3A_23 : vector<1x512xf32> to vector<1024x512xf32>
    %add3A_25 = arith.addf %add3A, %add3A_24 : vector<1024x512xf32>
    %slice3A = vector.extract_strided_slice %add3A_25 {offsets = [0, 0], sizes = [1024, 128], strides = [1, 1]} : vector<1024x512xf32> to vector<1024x128xf32>
    %logistic3A = arith.negf %slice3A : vector<1024x128xf32>
    %logistic3A_26 = math.exp %logistic3A : vector<1024x128xf32>
    %logistic3A_27 = arith.constant 1.000000e+00 : f32
    %logistic3A_28 = vector.broadcast %logistic3A_27 : f32 to vector<1024x128xf32>
    %logistic3A_29 = arith.addf %logistic3A_28, %logistic3A_26 : vector<1024x128xf32>
    %logistic3A_30 = arith.divf %logistic3A_28, %logistic3A_29 : vector<1024x128xf32>
    %slice3A_31 = vector.extract_strided_slice %add3A_25 {offsets = [0, 128], sizes = [1024, 128], strides = [1, 1]} : vector<1024x512xf32> to vector<1024x128xf32>
    %logistic3A_32 = arith.negf %slice3A_31 : vector<1024x128xf32>
    %logistic3A_33 = math.exp %logistic3A_32 : vector<1024x128xf32>
    %logistic3A_34 = arith.constant 1.000000e+00 : f32
    %logistic3A_35 = vector.broadcast %logistic3A_34 : f32 to vector<1024x128xf32>
    %logistic3A_36 = arith.addf %logistic3A_35, %logistic3A_33 : vector<1024x128xf32>
    %logistic3A_37 = arith.divf %logistic3A_35, %logistic3A_36 : vector<1024x128xf32>
    %slice3A_38 = vector.extract_strided_slice %add3A_25 {offsets = [0, 256], sizes = [1024, 128], strides = [1, 1]} : vector<1024x512xf32> to vector<1024x128xf32>
    %tanh3A = math.tanh %slice3A_38 : vector<1024x128xf32>
    %slice3A_39 = vector.extract_strided_slice %add3A_25 {offsets = [0, 384], sizes = [1024, 128], strides = [1, 1]} : vector<1024x512xf32> to vector<1024x128xf32>
    %logistic3A_40 = arith.negf %slice3A_39 : vector<1024x128xf32>
    %logistic3A_41 = math.exp %logistic3A_40 : vector<1024x128xf32>
    %logistic3A_42 = arith.constant 1.000000e+00 : f32
    %logistic3A_43 = vector.broadcast %logistic3A_42 : f32 to vector<1024x128xf32>
    %logistic3A_44 = arith.addf %logistic3A_43, %logistic3A_41 : vector<1024x128xf32>
    %logistic3A_45 = arith.divf %logistic3A_43, %logistic3A_44 : vector<1024x128xf32>
    %mul3A = arith.mulf %logistic3A_37, %get3A_6 : vector<1024x128xf32>
    %mul3A_46 = arith.mulf %logistic3A_30, %tanh3A : vector<1024x128xf32>
    %add3A_47 = arith.addf %mul3A, %mul3A_46 : vector<1024x128xf32>
    %tanh3A_48 = math.tanh %add3A_47 : vector<1024x128xf32>
    %mul3A_49 = arith.mulf %logistic3A_45, %tanh3A_48 : vector<1024x128xf32>
    %get3A_50 = arith.constant 0 : index
    %get3A_51 = arith.constant 64 : index
    %get3A_52 = vector.load %arg1[%get3A_50, %get3A_51] : memref<1024x256xf32, #tpu.memory_space<vmem>>, vector<1024x64xf32>
    %convert_element_type3A_53 = arith.truncf %get3A_52 : vector<1024x64xf32> to vector<1024x64xbf16>
    %get3A_54 = arith.constant 0 : index
    %get3A_55 = arith.constant 0 : index
    %get3A_56 = vector.load %arg2[%get3A_54, %get3A_55] : memref<64x512xbf16, #tpu.memory_space<vmem>>, vector<64x512xbf16>
    %dot_general3A_57 = arith.constant dense<0.000000e+00> : vector<1024x512xf32>
    %dot_general3A_58 = tpu.matmul %convert_element_type3A_53, %get3A_56, %dot_general3A_57 {dimension_numbers = #tpu.dot_dimension_numbers<[1], [0], [0], [1], [0, 0, 1, 1], [], []>, transpose_lhs_hint = false} : vector<1024x64xbf16>, vector<64x512xbf16>, vector<1024x512xf32> -> vector<1024x512xf32>
    %convert_element_type3A_59 = arith.truncf %mul3A_49 : vector<1024x128xf32> to vector<1024x128xbf16>
    %get3A_60 = arith.constant 0 : index
    %get3A_61 = arith.constant 0 : index
    %get3A_62 = vector.load %arg3[%get3A_60, %get3A_61] : memref<128x512xbf16, #tpu.memory_space<vmem>>, vector<128x512xbf16>
    %dot_general3A_63 = arith.constant dense<0.000000e+00> : vector<1024x512xf32>
    %dot_general3A_64 = tpu.matmul %convert_element_type3A_59, %get3A_62, %dot_general3A_63 {dimension_numbers = #tpu.dot_dimension_numbers<[1], [0], [0], [1], [0, 0, 1, 1], [], []>, transpose_lhs_hint = false} : vector<1024x128xbf16>, vector<128x512xbf16>, vector<1024x512xf32> -> vector<1024x512xf32>
    %add3A_65 = arith.addf %dot_general3A_58, %dot_general3A_64 : vector<1024x512xf32>
    %get3A_66 = arith.constant 0 : index
    %get3A_67 = arith.constant 0 : index
    %get3A_68 = vector.load %arg4[%get3A_66, %get3A_67] : memref<1x512xf32, #tpu.memory_space<vmem>>, vector<1x512xf32>
    %add3A_69 = vector.broadcast %get3A_68 : vector<1x512xf32> to vector<1024x512xf32>
    %add3A_70 = arith.addf %add3A_65, %add3A_69 : vector<1024x512xf32>
    %slice3A_71 = vector.extract_strided_slice %add3A_70 {offsets = [0, 0], sizes = [1024, 128], strides = [1, 1]} : vector<1024x512xf32> to vector<1024x128xf32>
    %logistic3A_72 = arith.negf %slice3A_71 : vector<1024x128xf32>
    %logistic3A_73 = math.exp %logistic3A_72 : vector<1024x128xf32>
    %logistic3A_74 = arith.constant 1.000000e+00 : f32
    %logistic3A_75 = vector.broadcast %logistic3A_74 : f32 to vector<1024x128xf32>
    %logistic3A_76 = arith.addf %logistic3A_75, %logistic3A_73 : vector<1024x128xf32>
    %logistic3A_77 = arith.divf %logistic3A_75, %logistic3A_76 : vector<1024x128xf32>
    %slice3A_78 = vector.extract_strided_slice %add3A_70 {offsets = [0, 128], sizes = [1024, 128], strides = [1, 1]} : vector<1024x512xf32> to vector<1024x128xf32>
    %logistic3A_79 = arith.negf %slice3A_78 : vector<1024x128xf32>
    %logistic3A_80 = math.exp %logistic3A_79 : vector<1024x128xf32>
    %logistic3A_81 = arith.constant 1.000000e+00 : f32
    %logistic3A_82 = vector.broadcast %logistic3A_81 : f32 to vector<1024x128xf32>
    %logistic3A_83 = arith.addf %logistic3A_82, %logistic3A_80 : vector<1024x128xf32>
    %logistic3A_84 = arith.divf %logistic3A_82, %logistic3A_83 : vector<1024x128xf32>
    %slice3A_85 = vector.extract_strided_slice %add3A_70 {offsets = [0, 256], sizes = [1024, 128], strides = [1, 1]} : vector<1024x512xf32> to vector<1024x128xf32>
    %tanh3A_86 = math.tanh %slice3A_85 : vector<1024x128xf32>
    %slice3A_87 = vector.extract_strided_slice %add3A_70 {offsets = [0, 384], sizes = [1024, 128], strides = [1, 1]} : vector<1024x512xf32> to vector<1024x128xf32>
    %logistic3A_88 = arith.negf %slice3A_87 : vector<1024x128xf32>
    %logistic3A_89 = math.exp %logistic3A_88 : vector<1024x128xf32>
    %logistic3A_90 = arith.constant 1.000000e+00 : f32
    %logistic3A_91 = vector.broadcast %logistic3A_90 : f32 to vector<1024x128xf32>
    %logistic3A_92 = arith.addf %logistic3A_91, %logistic3A_89 : vector<1024x128xf32>
    %logistic3A_93 = arith.divf %logistic3A_91, %logistic3A_92 : vector<1024x128xf32>
    %mul3A_94 = arith.mulf %logistic3A_84, %add3A_47 : vector<1024x128xf32>
    %mul3A_95 = arith.mulf %logistic3A_77, %tanh3A_86 : vector<1024x128xf32>
    %add3A_96 = arith.addf %mul3A_94, %mul3A_95 : vector<1024x128xf32>
    %tanh3A_97 = math.tanh %add3A_96 : vector<1024x128xf32>
    %mul3A_98 = arith.mulf %logistic3A_93, %tanh3A_97 : vector<1024x128xf32>
    %get3A_99 = arith.constant 0 : index
    %get3A_100 = arith.constant 128 : index
    %get3A_101 = vector.load %arg1[%get3A_99, %get3A_100] : memref<1024x256xf32, #tpu.memory_space<vmem>>, vector<1024x64xf32>
    %convert_element_type3A_102 = arith.truncf %get3A_101 : vector<1024x64xf32> to vector<1024x64xbf16>
    %get3A_103 = arith.constant 0 : index
    %get3A_104 = arith.constant 0 : index
    %get3A_105 = vector.load %arg2[%get3A_103, %get3A_104] : memref<64x512xbf16, #tpu.memory_space<vmem>>, vector<64x512xbf16>
    %dot_general3A_106 = arith.constant dense<0.000000e+00> : vector<1024x512xf32>
    %dot_general3A_107 = tpu.matmul %convert_element_type3A_102, %get3A_105, %dot_general3A_106 {dimension_numbers = #tpu.dot_dimension_numbers<[1], [0], [0], [1], [0, 0, 1, 1], [], []>, transpose_lhs_hint = false} : vector<1024x64xbf16>, vector<64x512xbf16>, vector<1024x512xf32> -> vector<1024x512xf32>
    %convert_element_type3A_108 = arith.truncf %mul3A_98 : vector<1024x128xf32> to vector<1024x128xbf16>
    %get3A_109 = arith.constant 0 : index
    %get3A_110 = arith.constant 0 : index
    %get3A_111 = vector.load %arg3[%get3A_109, %get3A_110] : memref<128x512xbf16, #tpu.memory_space<vmem>>, vector<128x512xbf16>
    %dot_general3A_112 = arith.constant dense<0.000000e+00> : vector<1024x512xf32>
    %dot_general3A_113 = tpu.matmul %convert_element_type3A_108, %get3A_111, %dot_general3A_112 {dimension_numbers = #tpu.dot_dimension_numbers<[1], [0], [0], [1], [0, 0, 1, 1], [], []>, transpose_lhs_hint = false} : vector<1024x128xbf16>, vector<128x512xbf16>, vector<1024x512xf32> -> vector<1024x512xf32>
    %add3A_114 = arith.addf %dot_general3A_107, %dot_general3A_113 : vector<1024x512xf32>
    %get3A_115 = arith.constant 0 : index
    %get3A_116 = arith.constant 0 : index
    %get3A_117 = vector.load %arg4[%get3A_115, %get3A_116] : memref<1x512xf32, #tpu.memory_space<vmem>>, vector<1x512xf32>
    %add3A_118 = vector.broadcast %get3A_117 : vector<1x512xf32> to vector<1024x512xf32>
    %add3A_119 = arith.addf %add3A_114, %add3A_118 : vector<1024x512xf32>
    %slice3A_120 = vector.extract_strided_slice %add3A_119 {offsets = [0, 0], sizes = [1024, 128], strides = [1, 1]} : vector<1024x512xf32> to vector<1024x128xf32>
    %logistic3A_121 = arith.negf %slice3A_120 : vector<1024x128xf32>
    %logistic3A_122 = math.exp %logistic3A_121 : vector<1024x128xf32>
    %logistic3A_123 = arith.constant 1.000000e+00 : f32
    %logistic3A_124 = vector.broadcast %logistic3A_123 : f32 to vector<1024x128xf32>
    %logistic3A_125 = arith.addf %logistic3A_124, %logistic3A_122 : vector<1024x128xf32>
    %logistic3A_126 = arith.divf %logistic3A_124, %logistic3A_125 : vector<1024x128xf32>
    %slice3A_127 = vector.extract_strided_slice %add3A_119 {offsets = [0, 128], sizes = [1024, 128], strides = [1, 1]} : vector<1024x512xf32> to vector<1024x128xf32>
    %logistic3A_128 = arith.negf %slice3A_127 : vector<1024x128xf32>
    %logistic3A_129 = math.exp %logistic3A_128 : vector<1024x128xf32>
    %logistic3A_130 = arith.constant 1.000000e+00 : f32
    %logistic3A_131 = vector.broadcast %logistic3A_130 : f32 to vector<1024x128xf32>
    %logistic3A_132 = arith.addf %logistic3A_131, %logistic3A_129 : vector<1024x128xf32>
    %logistic3A_133 = arith.divf %logistic3A_131, %logistic3A_132 : vector<1024x128xf32>
    %slice3A_134 = vector.extract_strided_slice %add3A_119 {offsets = [0, 256], sizes = [1024, 128], strides = [1, 1]} : vector<1024x512xf32> to vector<1024x128xf32>
    %tanh3A_135 = math.tanh %slice3A_134 : vector<1024x128xf32>
    %slice3A_136 = vector.extract_strided_slice %add3A_119 {offsets = [0, 384], sizes = [1024, 128], strides = [1, 1]} : vector<1024x512xf32> to vector<1024x128xf32>
    %logistic3A_137 = arith.negf %slice3A_136 : vector<1024x128xf32>
    %logistic3A_138 = math.exp %logistic3A_137 : vector<1024x128xf32>
    %logistic3A_139 = arith.constant 1.000000e+00 : f32
    %logistic3A_140 = vector.broadcast %logistic3A_139 : f32 to vector<1024x128xf32>
    %logistic3A_141 = arith.addf %logistic3A_140, %logistic3A_138 : vector<1024x128xf32>
    %logistic3A_142 = arith.divf %logistic3A_140, %logistic3A_141 : vector<1024x128xf32>
    %mul3A_143 = arith.mulf %logistic3A_133, %add3A_96 : vector<1024x128xf32>
    %mul3A_144 = arith.mulf %logistic3A_126, %tanh3A_135 : vector<1024x128xf32>
    %add3A_145 = arith.addf %mul3A_143, %mul3A_144 : vector<1024x128xf32>
    %tanh3A_146 = math.tanh %add3A_145 : vector<1024x128xf32>
    %mul3A_147 = arith.mulf %logistic3A_142, %tanh3A_146 : vector<1024x128xf32>
    %get3A_148 = arith.constant 0 : index
    %get3A_149 = arith.constant 192 : index
    %get3A_150 = vector.load %arg1[%get3A_148, %get3A_149] : memref<1024x256xf32, #tpu.memory_space<vmem>>, vector<1024x64xf32>
    %convert_element_type3A_151 = arith.truncf %get3A_150 : vector<1024x64xf32> to vector<1024x64xbf16>
    %get3A_152 = arith.constant 0 : index
    %get3A_153 = arith.constant 0 : index
    %get3A_154 = vector.load %arg2[%get3A_152, %get3A_153] : memref<64x512xbf16, #tpu.memory_space<vmem>>, vector<64x512xbf16>
    %dot_general3A_155 = arith.constant dense<0.000000e+00> : vector<1024x512xf32>
    %dot_general3A_156 = tpu.matmul %convert_element_type3A_151, %get3A_154, %dot_general3A_155 {dimension_numbers = #tpu.dot_dimension_numbers<[1], [0], [0], [1], [0, 0, 1, 1], [], []>, transpose_lhs_hint = false} : vector<1024x64xbf16>, vector<64x512xbf16>, vector<1024x512xf32> -> vector<1024x512xf32>
    %convert_element_type3A_157 = arith.truncf %mul3A_147 : vector<1024x128xf32> to vector<1024x128xbf16>
    %get3A_158 = arith.constant 0 : index
    %get3A_159 = arith.constant 0 : index
    %get3A_160 = vector.load %arg3[%get3A_158, %get3A_159] : memref<128x512xbf16, #tpu.memory_space<vmem>>, vector<128x512xbf16>
    %dot_general3A_161 = arith.constant dense<0.000000e+00> : vector<1024x512xf32>
    %dot_general3A_162 = tpu.matmul %convert_element_type3A_157, %get3A_160, %dot_general3A_161 {dimension_numbers = #tpu.dot_dimension_numbers<[1], [0], [0], [1], [0, 0, 1, 1], [], []>, transpose_lhs_hint = false} : vector<1024x128xbf16>, vector<128x512xbf16>, vector<1024x512xf32> -> vector<1024x512xf32>
    %add3A_163 = arith.addf %dot_general3A_156, %dot_general3A_162 : vector<1024x512xf32>
    %get3A_164 = arith.constant 0 : index
    %get3A_165 = arith.constant 0 : index
    %get3A_166 = vector.load %arg4[%get3A_164, %get3A_165] : memref<1x512xf32, #tpu.memory_space<vmem>>, vector<1x512xf32>
    %add3A_167 = vector.broadcast %get3A_166 : vector<1x512xf32> to vector<1024x512xf32>
    %add3A_168 = arith.addf %add3A_163, %add3A_167 : vector<1024x512xf32>
    %slice3A_169 = vector.extract_strided_slice %add3A_168 {offsets = [0, 0], sizes = [1024, 128], strides = [1, 1]} : vector<1024x512xf32> to vector<1024x128xf32>
    %logistic3A_170 = arith.negf %slice3A_169 : vector<1024x128xf32>
    %logistic3A_171 = math.exp %logistic3A_170 : vector<1024x128xf32>
    %logistic3A_172 = arith.constant 1.000000e+00 : f32
    %logistic3A_173 = vector.broadcast %logistic3A_172 : f32 to vector<1024x128xf32>
    %logistic3A_174 = arith.addf %logistic3A_173, %logistic3A_171 : vector<1024x128xf32>
    %logistic3A_175 = arith.divf %logistic3A_173, %logistic3A_174 : vector<1024x128xf32>
    %slice3A_176 = vector.extract_strided_slice %add3A_168 {offsets = [0, 128], sizes = [1024, 128], strides = [1, 1]} : vector<1024x512xf32> to vector<1024x128xf32>
    %logistic3A_177 = arith.negf %slice3A_176 : vector<1024x128xf32>
    %logistic3A_178 = math.exp %logistic3A_177 : vector<1024x128xf32>
    %logistic3A_179 = arith.constant 1.000000e+00 : f32
    %logistic3A_180 = vector.broadcast %logistic3A_179 : f32 to vector<1024x128xf32>
    %logistic3A_181 = arith.addf %logistic3A_180, %logistic3A_178 : vector<1024x128xf32>
    %logistic3A_182 = arith.divf %logistic3A_180, %logistic3A_181 : vector<1024x128xf32>
    %slice3A_183 = vector.extract_strided_slice %add3A_168 {offsets = [0, 256], sizes = [1024, 128], strides = [1, 1]} : vector<1024x512xf32> to vector<1024x128xf32>
    %tanh3A_184 = math.tanh %slice3A_183 : vector<1024x128xf32>
    %slice3A_185 = vector.extract_strided_slice %add3A_168 {offsets = [0, 384], sizes = [1024, 128], strides = [1, 1]} : vector<1024x512xf32> to vector<1024x128xf32>
    %logistic3A_186 = arith.negf %slice3A_185 : vector<1024x128xf32>
    %logistic3A_187 = math.exp %logistic3A_186 : vector<1024x128xf32>
    %logistic3A_188 = arith.constant 1.000000e+00 : f32
    %logistic3A_189 = vector.broadcast %logistic3A_188 : f32 to vector<1024x128xf32>
    %logistic3A_190 = arith.addf %logistic3A_189, %logistic3A_187 : vector<1024x128xf32>
    %logistic3A_191 = arith.divf %logistic3A_189, %logistic3A_190 : vector<1024x128xf32>
    %mul3A_192 = arith.mulf %logistic3A_182, %add3A_145 : vector<1024x128xf32>
    %mul3A_193 = arith.mulf %logistic3A_175, %tanh3A_184 : vector<1024x128xf32>
    %add3A_194 = arith.addf %mul3A_192, %mul3A_193 : vector<1024x128xf32>
    %tanh3A_195 = math.tanh %add3A_194 : vector<1024x128xf32>
    %mul3A_196 = arith.mulf %logistic3A_191, %tanh3A_195 : vector<1024x128xf32>
    %swap3A = arith.constant 0 : index
    %swap3A_197 = arith.constant 0 : index
    %swap3A_198 = vector.load %arg8[%swap3A, %swap3A_197] : memref<1024x128xf32, #tpu.memory_space<vmem>>, vector<1024x128xf32>
    tpu.vector_store %arg8[%swap3A, %swap3A_197], %mul3A_196 {strides = array<i32>} : memref<1024x128xf32, #tpu.memory_space<vmem>>, vector<1024x128xf32>,
    %swap3A_199 = arith.constant 0 : index
    %swap3A_200 = arith.constant 0 : index
    %swap3A_201 = vector.load %arg9[%swap3A_199, %swap3A_200] : memref<1024x128xf32, #tpu.memory_space<vmem>>, vector<1024x128xf32>
    tpu.vector_store %arg9[%swap3A_199, %swap3A_200], %add3A_194 {strides = array<i32>} : memref<1024x128xf32, #tpu.memory_space<vmem>>, vector<1024x128xf32>,
    %eq3A_202 = arith.constant 49 : i32
    %eq3A_203 = arith.cmpi eq, %arg0, %eq3A_202 : i32
    %convert_element_type3A_204 = arith.extui %eq3A_203 : i1 to i32
    %cond3A_205 = arith.constant 0 : i32
    %cond3A_206 = arith.cmpi ne, %convert_element_type3A_204, %cond3A_205 : i32
    scf.if %cond3A_206 {
      %get3A_207 = arith.constant 0 : index
      %get3A_208 = arith.constant 0 : index
      %get3A_209 = vector.load %arg5[%get3A_207, %get3A_208] : memref<1x128xf32, #tpu.memory_space<vmem>>, vector<1x128xf32>
      %mul3A_210 = vector.broadcast %get3A_209 : vector<1x128xf32> to vector<1024x128xf32>
      %mul3A_211 = arith.mulf %mul3A_196, %mul3A_210 : vector<1024x128xf32>
      %reduce_sum3A = arith.constant dense<0.000000e+00> : vector<1024xf32>
      %reduce_sum3A_212 = vector.multi_reduction <add>, %mul3A_211, %reduce_sum3A [1] : vector<1024x128xf32> to vector<1024xf32>
      %broadcast_in_dim3A = vector.shape_cast %reduce_sum3A_212 : vector<1024xf32> to vector<1024x1xf32>
      %get3A_213 = arith.constant 0 : index
      %get3A_214 = arith.constant 0 : index
      %get3A_215 = vector.load %arg6[%get3A_213, %get3A_214] : memref<1x1xf32, #tpu.memory_space<vmem>>, vector<1x1xf32>
      %add3A_216 = vector.broadcast %get3A_215 : vector<1x1xf32> to vector<1024x1xf32>
      %add3A_217 = arith.addf %broadcast_in_dim3A, %add3A_216 : vector<1024x1xf32>
      %logistic3A_218 = arith.negf %add3A_217 : vector<1024x1xf32>
      %logistic3A_219 = math.exp %logistic3A_218 : vector<1024x1xf32>
      %logistic3A_220 = arith.constant 1.000000e+00 : f32
      %logistic3A_221 = vector.broadcast %logistic3A_220 : f32 to vector<1024x1xf32>
      %logistic3A_222 = arith.addf %logistic3A_221, %logistic3A_219 : vector<1024x1xf32>
      %logistic3A_223 = arith.divf %logistic3A_221, %logistic3A_222 : vector<1024x1xf32>
      %swap3A_224 = arith.constant 0 : index
      %swap3A_225 = arith.constant 0 : index
      %swap3A_226 = vector.load %arg7[%swap3A_224, %swap3A_225] : memref<1024x1xf32, #tpu.memory_space<vmem>>, vector<1024x1xf32>
      tpu.vector_store %arg7[%swap3A_224, %swap3A_225], %logistic3A_223 {strides = array<i32>} : memref<1024x1xf32, #tpu.memory_space<vmem>>, vector<1024x1xf32>,
    } else {
    }
    return
  }
  func.func @transform_0(%arg0: i32) -> (i32, i32) {
    %c0_i32 = arith.constant 0 : i32
    %c0_i32_0 = arith.constant 0 : i32
    return %c0_i32, %arg0 : i32, i32
  }
  func.func @transform_1(%arg0: i32) -> (i32, i32) {
    %c0_i32 = arith.constant 0 : i32
    %c0_i32_0 = arith.constant 0 : i32
    %c0_i32_1 = arith.constant 0 : i32
    return %c0_i32, %c0_i32_0 : i32, i32
  }
  func.func @transform_2(%arg0: i32) -> (i32, i32) {
    %c0_i32 = arith.constant 0 : i32
    %c0_i32_0 = arith.constant 0 : i32
    %c0_i32_1 = arith.constant 0 : i32
    return %c0_i32, %c0_i32_0 : i32, i32
  }
  func.func @transform_3(%arg0: i32) -> (i32, i32) {
    %c0_i32 = arith.constant 0 : i32
    %c0_i32_0 = arith.constant 0 : i32
    %c0_i32_1 = arith.constant 0 : i32
    return %c0_i32, %c0_i32_0 : i32, i32
  }
  func.func @transform_4(%arg0: i32) -> (i32, i32) {
    %c0_i32 = arith.constant 0 : i32
    %c0_i32_0 = arith.constant 0 : i32
    %c0_i32_1 = arith.constant 0 : i32
    return %c0_i32, %c0_i32_0 : i32, i32
  }
  func.func @transform_5(%arg0: i32) -> (i32, i32) {
    %c0_i32 = arith.constant 0 : i32
    %c0_i32_0 = arith.constant 0 : i32
    %c0_i32_1 = arith.constant 0 : i32
    return %c0_i32, %c0_i32_0 : i32, i32
  }
  func.func @transform_6(%arg0: i32) -> (i32, i32) {
    %c0_i32 = arith.constant 0 : i32
    %c0_i32_0 = arith.constant 0 : i32
    %c0_i32_1 = arith.constant 0 : i32
    return %c0_i32, %c0_i32_0 : i32, i32
  }
}

</mosaic_0001>

<sc_bundles>
// kernel: kernel.4.cloned.1.call-start
scs
__scs_entry_jumppad:
0x0: {  	(pc) =	sbr.rel $0x88, $3  }
0x1: {  	(tag) =	ssettag $0x0;
	lr =	simm.s32 $0x1  }
0x2: {  	[smem:$0x3F99] =	sst lr;
	_ =	strace $0xD0000000  }
0x3: {  	_ = 	snop  }
0x4: {  	_ = 	snop  }
0x5: {  	_ = 	snop  }
0x6: {  	_ = 	snop  }
0x7: {  	_ = 	snop  }
__scs_overlays_trampoline_lowered:
0x8: {  	[smem:$0x3FA8] =	sst s0  }
0x9: {  	[smem:$0x3FA9] =	sst s1  }
0xa: {  	[smem:$0x3FAA] =	sst s2  }
0xb: {  	[smem:$0x3FAB] =	sst s3  }
0xc: {  	[smem:$0x3FAC] =	sst s4  }
0xd: {  	[smem:$0x3FAD] =	sst s5  }
0xe: {  	[smem:$0x3FAE] =	sst s6  }
0xf: {  	[smem:$0x3FAF] =	sst s7  }
0x10: {  	[smem:$0x3FB0] =	sst s8  }
0x11: {  	[smem:$0x3FB1] =	sst s9;
	s0 =	simm.s32 @!p0 $0x0  }
0x12: {  	s1 =	sld [smem:$0x3F97];
	s0 =	simm.s32 @p0 $0x1  }
0x13: {  	[smem:$0x3FB2] =	sst s0;
	s0 =	simm.s32 @!p1 $0x0  }
0x14: {  	s2 =	sld [smem:$0x3F96];
	s0 =	simm.s32 @p1 $0x1  }
0x15: {  	[smem:$0x3FB3] =	sst s0;
	s0 =	simm.s32 @!p2 $0x0  }
0x16: {  	s3 =	sld [smem:$0x3FDB];
	s0 =	simm.s32 @p2 $0x1  }
0x17: {  	s4 =	simm.s32 $0x1BF5;
	[smem:$0x3FB5] =	sst s0  }
0x18: {  	s0 =	sld [smem:$0x3F98];
	_ =	swait.ge [sflag:s4], $0x0  }
0x19: {  	s7 =	sld [smem:$0x3F99]  }
0x1a: {  	s8 =	sadd.s32 $0xFFFFE003, lr  }
0x1b: {  	s9 =	sadd.s32 $0xFFFFFEF7, lr;
	s5 =	simm.s32 $0xFFFFFFFF;
	p2 =	slt.u32 s8, $0xFFFFF086  }
0x1c: {  	p1 =	slt.u32 s9, $0xF7A;
	s5 =	simm.s32 @!p2 $0x0  }
0x1d: {  	s5 =	simm.s32 @p1 $0x1;
	p0 =	seq.s32 s7, s2  }
0x1e: {  	s7 =	smul.u32 @!p0 $0xF7A, s2;
	p2 =	seq.s32 @!p0 s5, $0x0  }
0x1f: {  	s9 =	smul.u32 $0xF7A, s1;
	s8 =	simm.s32 @!p0 $0x1BF5;
	p2 =	por !p2, p0  }
0x20: {  	[sflag:s8] =	ssyncset.s32 @!p0 $0xFFFFF086;
	s6 =	sadd.s32 @!p0 s3, s7;
	s7 =	simm.s32 @!p0 $0x108  }
0x21: {  	s3 =	sadd.s32 s3, s9;
	s6 =	sadd.s32 @!p0 $0x88, s6;
	s7 =	simm.s32 @p2 $0x1082  }
0x22: {  	[simem:s7], [sflag:s8] =	dma.local @!p0 [hbm:s6], $0xF7A  }
0x23: {  	s9 =	sor.u32 $0xD0000000, s2;
	s6 =	simm.s32 $0x108;
	_ =	swait.ge @!p0 [sflag:s8], $0x0  }
0x24: {  	s3 =	sadd.s32 $0x88, s3;
	s6 =	simm.s32 @!p1 $0x1082;
	[sflag:s4] =	ssyncset.s32 $0xFFFFF086  }
0x25: {  	[simem:s6], [sflag:s4] =	dma.local [hbm:s3], $0xF7A  }
0x26: {  	[smem:$0x3F99] =	sst s1;
	(tag) =	ssettag s2;
	_ =	strace s9  }
0x27: {  	s1 =	sld [smem:$0x3FA9]  }
0x28: {  	s2 =	sld [smem:$0x3FAA]  }
0x29: {  	s4 =	sld [smem:$0x3FAC]  }
0x2a: {  	p0 =	seq.s32 s5, $0x0;
	s5 =	sld [smem:$0x3FAD]  }
0x2b: {  	s6 =	sld [smem:$0x3FAE]  }
0x2c: {  	s7 =	sld [smem:$0x3FAF]  }
0x2d: {  	s3 =	simm.s32 $0x108;
	s8 =	sld [smem:$0x3FB0]  }
0x2e: {  	s3 =	simm.s32 @!p0 $0x1082;
	s9 =	sld [smem:$0x3FB1]  }
0x2f: {  	lr =	sadd.s32 s0, s3;
	s0 =	sld [smem:$0x3FA8]  }
0x30: {  	s3 =	sld [smem:$0x3FAB]  }
0x31: {  	[smem:$0x3FB4] =	sst s10  }
0x32: {  	s10 =	sld [smem:$0x3FB2];
	_ =	sdelay $0x3  }
0x33: {  	p0 =	seq.s32 s10, $0x1;
	s10 =	sld [smem:$0x3FB4];
	_ =	sdelay $0x3  }
0x34: {  	[smem:$0x3FB4] =	sst s10  }
0x35: {  	s10 =	sld [smem:$0x3FB3];
	_ =	sdelay $0x3  }
0x36: {  	p1 =	seq.s32 s10, $0x1;
	s10 =	sld [smem:$0x3FB4];
	_ =	sdelay $0x3  }
0x37: {  	[smem:$0x3FB4] =	sst s10  }
0x38: {  	s10 =	sld [smem:$0x3FB5]  }
0x39: {  	_ = 	snop;
	(pc) =	sbr.ind lr, $3  }
0x3a: {  	_ = 	snop  }
0x3b: {  	_ = 	snop  }
0x3c: {  	p2 =	seq.s32 s10, $0x1;
	s10 =	sld [smem:$0x3FB4]  }
0x3d: {  	_ =	shalt  }
0x3e: {  	_ =	shalt  }
0x3f: {  	_ =	shalt  }
0x40: {  	_ =	shalt  }
0x41: {  	_ =	shalt  }
0x42: {  	_ =	shalt  }
0x43: {  	_ =	shalt  }
0x44: {  	_ =	shalt  }
0x45: {  	_ =	shalt  }
0x46: {  	_ =	shalt  }
0x47: {  	_ =	shalt  }
0x48: {  	_ =	shalt  }
0x49: {  	_ =	shalt  }
0x4a: {  	_ =	shalt  }
0x4b: {  	_ =	shalt  }
0x4c: {  	_ =	shalt  }
0x4d: {  	_ =	shalt  }
0x4e: {  	_ =	shalt  }
0x4f: {  	_ =	shalt  }
0x50: {  	_ =	shalt  }
0x51: {  	_ =	shalt  }
0x52: {  	_ =	shalt  }
0x53: {  	_ =	shalt  }
0x54: {  	_ =	shalt  }
0x55: {  	_ =	shalt  }
0x56: {  	_ =	shalt  }
0x57: {  	_ =	shalt  }
0x58: {  	_ =	shalt  }
0x59: {  	_ =	shalt  }
0x5a: {  	_ =	shalt  }
0x5b: {  	_ =	shalt  }
0x5c: {  	_ =	shalt  }
0x5d: {  	_ =	shalt  }
0x5e: {  	_ =	shalt  }
0x5f: {  	_ =	shalt  }
0x60: {  	_ =	shalt  }
0x61: {  	_ =	shalt  }
0x62: {  	_ =	shalt  }
0x63: {  	_ =	shalt  }
0x64: {  	_ =	shalt  }
0x65: {  	_ =	shalt  }
0x66: {  	_ =	shalt  }
0x67: {  	_ =	shalt  }
0x68: {  	_ =	shalt  }
0x69: {  	_ =	shalt  }
0x6a: {  	_ =	shalt  }
0x6b: {  	_ =	shalt  }
0x6c: {  	_ =	shalt  }
0x6d: {  	_ =	shalt  }
0x6e: {  	_ =	shalt  }
0x6f: {  	_ =	shalt  }
0x70: {  	_ =	shalt  }
0x71: {  	_ =	shalt  }
0x72: {  	_ =	shalt  }
0x73: {  	_ =	shalt  }
0x74: {  	_ =	shalt  }
0x75: {  	_ =	shalt  }
0x76: {  	_ =	shalt  }
0x77: {  	_ =	shalt  }
0x78: {  	_ =	shalt  }
0x79: {  	_ =	shalt  }
0x7a: {  	_ =	shalt  }
0x7b: {  	_ =	shalt  }
0x7c: {  	_ =	shalt  }
0x7d: {  	_ =	shalt  }
0x7e: {  	_ =	shalt  }
0x7f: {  	_ =	shalt  }
0x80: {  	_ =	shalt  }
0x81: {  	_ =	shalt  }
0x82: {  	_ =	shalt  }
0x83: {  	_ =	shalt  }
0x84: {  	_ =	shalt  }
0x85: {  	_ =	shalt  }
0x86: {  	_ =	shalt  }
0x87: {  	_ =	shalt  }
.Lfunc_end0:
.L_simem_size_0:
called_computation_lowered:
.L_overlay_start_0:
0x88: {  	s2 =	sld [smem:$0x3FD9]  }
0x89: {  	s3 =	sld [smem:$0x3FFE];
	_ =	sdelay $0x1  }
0x8a: {  	s1 =	srdreg.scid  }
0x8b: {  	s0 =	sand.u32 $0x1, s1  }
0x8c: {  	s16 =	sshll.u32 s0, $0xA;
	s2 =	sadd.s32 s3, s2  }
0x8d: {  	s2 =	sadd.s32 s2, s16  }
0x8e: {  	[smem:$0x3FC0] =	sst s2  }
0x8f: {  	_ = 	snop  }
0x90: {  	(tm) =	ssettm $0x1  }
0x91: {  	s17 =	sld [smem:$0x3FFB];
	_ =	sdelay $0x3  }
0x92: {  	_ =	strace s17  }
0x93: {  	s2 =	sld [smem:$0x3FFC];
	_ =	sdelay $0x3  }
0x94: {  	_ =	strace s2  }
0x95: {  	s2 =	sld [smem:$0x3FFD];
	_ =	sdelay $0x3  }
0x96: {  	_ =	strace s2  }
0x97: {  	_ =	strace $0x8FFFFFFF  }
0x98: {  	s18 =	sld [smem:$0x3FDB];
	_ =	sdelay $0x1  }
0x99: {  	s19 =	simm.s32 $_scs_section_size  }
0x9a: {  	s4 =	simm.s32 $_size__tile_overlayer_lowered;
	s5 =	simm.s32 $_tile_overlayer_lowered  }
0x9b: {  	s22 =	simm.s32 $0x1BFF;
	s21 =	sshll.u32 s5, $0x1;
	s2 =	sadd.s32 s19, s18  }
0x9c: {  	s6 =	simm.s32 $0x0;
	s20 =	sshll.u32 s4, $0x1;
	s4 =	sadd.s32 s21, s2  }
0x9d: {  	[timem:s6], [sflag:s22] =	dma.local [hbm:s4], s20  }
0x9e: {  	_ =	swait.ge [sflag:s22], s20  }
0x9f: {  	s3 =	ssub.s32 $0x0, s20;
	[sflag:s22] =	ssyncset.done $0x0  }
0xa0: {  	[sflag:s22] =	ssyncadd.s32 s3;
	_ =	sdelay $0x1  }
0xa1: {  	s23 =	simm.s32 $0x1B8B  }
0xa2: {  	_ =	swait.ge [sflag:s23], $0x1  }
0xa3: {  	[sflag:s23] =	ssyncset.done $0x0  }
0xa4: {  	s25 =	simm.s32 $0x1B8E;
	s24 =	sld [smem:$0x3FFE];
	[sflag:s23] =	ssyncadd.s32 $0xFFFFFFFF  }
0xa5: {  	s26 =	simm.s32 $execute0_lowered;
	[smem:$0x3FD2] =	sst s25  }
0xa6: {  	s4 =	sshll.u32 s26, $0x1;
	_ =	strace $0x80000046;
	[dreg:$0x1] =	wrdreg $0xFFFFFFFF  }
0xa7: {  	s28 =	simm.s32 $_size_execute0_lowered;
	s2 =	sadd.s32 s2, s4;
	[dreg:$0x0] =	wrdreg $0x0  }
0xa8: {  	s4 =	sshll.u32 s28, $0x1;
	[dreg:$0x2] =	wrdreg s2  }
0xa9: {  	[dreg:$0x3] =	wrdreg s4  }
0xaa: {  	[dreg:$0x4] =	wrdreg $0xC0  }
0xab: {  	_ =	task [dreg:s6], $0x5FFFF  }
0xac: {  	[dreg:$0x1] =	wrdreg $0xFFFFFFFF  }
0xad: {  	[dreg:$0x0] =	wrdreg $0x60  }
0xae: {  	[dreg:$0x2] =	wrdreg s24  }
0xaf: {  	[dreg:$0x3] =	wrdreg $0x9  }
0xb0: {  	_ =	task.clear_ibuf [dreg:s6], $0x4FFFF;
	_ =	strace $0x90000046  }
0xb1: {  	s29 =	simm.s32 $0x9;
	_ =	strace $0x80000048  }
0xb2: {  	_ =	swait.ge [sflag:s29], $0x1  }
0xb3: {  	[sflag:s29] =	ssyncadd.s32 $0xFFFFFFFF  }
0xb4: {  	_ =	strace $0x90000048  }
0xb5: {  	_ =	sfence  }
0xb6: {  	s30 =	sld [smem:$0x0];
	_ =	sdelay $0x2  }
0xb7: {  	s31 =	sshll.u32 s1, $0xD;
	s1 =	sshrl.u32 s1, $0x2  }
0xb8: {  	s3 =	sand.u32 $0x4000, s31;
	s1 =	sadd.s32 s1, s30  }
0xb9: {  	s0 =	sor.u32 s3, s0;
	s1 =	sshll.u32 s1, $0x11  }
0xba: {  	s0 =	sor.u32 s1, s0  }
0xbb: {  	s0 =	sadd.s32 $0x8F2B, s0  }
0xbc: {  	[sflag:s0] =	ssyncadd.remote.s32 $0x1  }
0xbd: {  	_ =	sfence.sel $0xFFFF  }
0xbe: {  	[dreg:$0x0] =	wrdreg $0xFFFFFFFF;
	(pc) =	sbr.abs _section_cstart, $3  }
0xbf: {  	[dreg:$0x1] =	wrdreg $0xFFFFFFFF  }
0xc0: {  	_ =	task.clear_ibuf [dreg:s6], $0x2FFFF;
	_ =	strace $0x9FFFFFFF  }
0xc1: {  	(tm) =	ssettm $0x7FFFFFFF  }
tec
execute0_lowered:
.L_overlay_start_1:
0x0: {  	(tag) =	ssettag $0x1  }
0x1: {  	s4 =	rddreg [dreg:$0x0]  }
0x2: {  	s0 =	rddreg [dreg:$0x1]  }
0x3: {  	s3 =	srdreg.scid;
	s1 =	stileid.u32  }
0x4: {  	s2 =	simm.s32 $0x0;
	s14 =	simm.s32 $0x1;
	s10 =	smul.u32 $0xC8000, s1  }
0x5: {  	s15 =	simm.s32 $0x2;
	s5 =	sand.u32 $0x1, s3;
	s25 =	smul.u32 $0x3200, s1  }
0x6: {  	s16 =	simm.s32 $0x1880;
	s24 =	sshll.u32 s1, $0x1;
	s12 =	smul.u32 $0x64000, s5  }
0x7: {  	s17 =	simm.s32 $0x0;
	s6 =	sor.u32 s5, s24;
	s28 =	smul.u32 $0x1900, s5  }
0x8: {  	[smem:$0x7FF] =	sst s2;
	s3 =	sadd.s32 $0xF42A00, s4;
	s7 =	smul.u32 $0x1900, s6  }
0x9: {  	s13 =	sadd.s32 $0x6A00, s4;
	s9 =	ssub.s32 $0x2, s5;
	s8 =	smul.u32 $0x64000, s6  }
0xa: {  	_ =	strace $0x80000047;
	s11 =	sshrl.u32 s9, $0x1;
	s29 =	smul.u32 $0xC800, s6  }
0xb: {  	s9 =	ssub.s32 s9, s11;
	s30 =	sadd.s32 s12, s10;
	s12 =	simm.s32 $0x80  }
0xc: {  	s7 =	sshrl.u32 s7, $0x3;
	s26 =	sshrl.u32 s8, $0x3;
	s5 =	smax.u32 s9, $0x1  }
0xd: {  	s8 =	sadd.s32 s28, s25;
	s9 =	sadd.s32 s13, s29;
	s10 =	sshrl.u32 s30, $0x3  }
0xe: {  	s7 =	sadd.s32 s7, s4;
	s11 =	sshll.u32 s8, $0x3;
	s8 =	sadd.s32 s10, s13  }
0xf: {  	s10 =	simm.s32 $0x3;
	s4 =	sadd.s32 $0x600, s7;
	s7 =	sadd.s32 s13, s26  }
0x10: {  	s31 =	sadd.s32 s11, s13;
	s11 =	simm.s32 $0x1900;
	s13 =	simm.s32 $0x3900  }
0x11: {  	s6 =	sadd.s32 $0xC000, s7;
	s7 =	sadd.s32 $0xC400, s9;
	s9 =	sadd.s32 $0x400, s31  }
.LBB2_1:
0x12: {  	[tilespmem:s2], [sflag:$0x3] =	stream.linear.gather [hbm4b:s4+s2], $0x1900, $0x38;
	[tilespmem:$0x5900] =	vst v63  }
0x13: {  	_ =	swait.ge [sflag:s10], $0x1900  }
0x14: {  	[sflag:s10] =	ssyncset.done $0x0  }
0x15: {  	[sflag:s10] =	ssyncadd.s32 $0xFFFFE700  }
0x16: {  	[tilespmem:s11], [sflag:$0x1] =	stream.indirect.gather [hbm4b:s3+s12], $0x40, s2, s12, $0xb8;
	[tilespmem:$0x5900] =	vst v63  }
0x17: {  	_ = 	snop  }
0x18: {  	[tilespmem:s13], [sflag:$0x2] =	stream.indirect.gather [hbm4b:s3+s12], $0x40, s12, s12, $0xb8;
	[tilespmem:$0x5900] =	vst v63  }
0x19: {  	_ =	swait.ge [sflag:s14], $0x2000  }
0x1a: {  	[sflag:s14] =	ssyncset.done $0x0  }
0x1b: {  	s18 =	sadd.s32 $0x0, s8;
	[sflag:s14] =	ssyncadd.s32 $0xFFFFE000  }
0x1c: {  	[hbm4b:s18+s2] =	stream.linear.scatter [tilespmem:s11], [sflag:$0x3], $0x2000, $0x38;
	[tilespmem:$0x5900] =	vst v63  }
0x1d: {  	_ =	swait.ge [sflag:s10], $0x2000  }
0x1e: {  	[sflag:s10] =	ssyncset.done $0x0  }
0x1f: {  	s30 =	simm.s32 $0x100;
	[sflag:s10] =	ssyncadd.s32 $0xFFFFE000  }
0x20: {  	[tilespmem:s11], [sflag:$0x1] =	stream.indirect.gather [hbm4b:s3+s12], $0x40, s30, s12, $0xb8;
	[tilespmem:$0x5900] =	vst v63  }
0x21: {  	_ =	swait.ge [sflag:s15], $0x2000  }
0x22: {  	[sflag:s15] =	ssyncset.done $0x0  }
0x23: {  	s31 =	sadd.s32 $0x0, s9;
	[sflag:s15] =	ssyncadd.s32 $0xFFFFE000  }
0x24: {  	[hbm4b:s31+s2] =	stream.linear.scatter [tilespmem:s13], [sflag:$0x3], $0x2000, $0x38;
	[tilespmem:$0x5900] =	vst v63  }
0x25: {  	_ =	swait.ge [sflag:s10], $0x2000  }
0x26: {  	s19 =	simm.s32 $0x80;
	s18 =	simm.s32 $0x800;
	[sflag:s10] =	ssyncset.done $0x0  }
.LBB2_2:
0x27: {  	p0 =	sne.s32 s18, $0xB800;
	[sflag:s10] =	ssyncadd.s32 $0xFFFFE000;
	s19 =	sadd.s32 $0x100, s19  }
0x28: {  	[tilespmem:s13], [sflag:$0x2] =	stream.indirect.gather [hbm4b:s3+s12], $0x40, s19, s12, $0xb8;
	[tilespmem:$0x5900] =	vst v63  }
0x29: {  	s20 =	smov.u32 s18;
	s18 =	sadd.s32 $0x800, s18;
	_ =	swait.ge [sflag:s14], $0x2000  }
0x2a: {  	[sflag:s14] =	ssyncset.done $0x0  }
0x2b: {  	s21 =	sadd.s32 s20, s8;
	[sflag:s14] =	ssyncadd.s32 $0xFFFFE000  }
0x2c: {  	[hbm4b:s21+s2] =	stream.linear.scatter [tilespmem:s11], [sflag:$0x3], $0x2000, $0x38;
	[tilespmem:$0x5900] =	vst v63  }
0x2d: {  	_ =	swait.ge [sflag:s10], $0x2000  }
0x2e: {  	[sflag:s10] =	ssyncset.done $0x0  }
0x2f: {  	s21 =	sadd.s32 $0x80, s19;
	[sflag:s10] =	ssyncadd.s32 $0xFFFFE000  }
0x30: {  	[tilespmem:s11], [sflag:$0x1] =	stream.indirect.gather [hbm4b:s3+s12], $0x40, s21, s12, $0xb8;
	[tilespmem:$0x5900] =	vst v63  }
0x31: {  	_ =	swait.ge [sflag:s15], $0x2000  }
.Ltmp0:
0x32: {  	[sflag:s15] =	ssyncset.done $0x0;
	(pc) =	sbr.rel @p0 .LBB2_2-.Ltmp0, $4  }
0x33: {  	s20 =	sadd.s32 s20, s9;
	[sflag:s15] =	ssyncadd.s32 $0xFFFFE000  }
0x34: {  	[hbm4b:s20+s2] =	stream.linear.scatter [tilespmem:s13], [sflag:$0x3], $0x2000, $0x38;
	[tilespmem:$0x5900] =	vst v63  }
0x35: {  	_ =	swait.ge [sflag:s10], $0x2000  }
0x36: {  	[sflag:s10] =	ssyncset.done $0x0  }
0x37: {  	[sflag:s10] =	ssyncadd.s32 $0xFFFFE000  }
0x38: {  	[tilespmem:s13], [sflag:$0x2] =	stream.indirect.gather [hbm4b:s3+s12], $0x40, s16, s12, $0xb8;
	[tilespmem:$0x5900] =	vst v63  }
0x39: {  	_ =	swait.ge [sflag:s14], $0x2000  }
0x3a: {  	[sflag:s14] =	ssyncset.done $0x0  }
0x3b: {  	[sflag:s14] =	ssyncadd.s32 $0xFFFFE000  }
0x3c: {  	[hbm4b:s6+s2] =	stream.linear.scatter [tilespmem:s11], [sflag:$0x3], $0x2000, $0x38;
	[tilespmem:$0x5900] =	vst v63  }
0x3d: {  	_ =	swait.ge [sflag:s10], $0x2000  }
0x3e: {  	[sflag:s10] =	ssyncset.done $0x0  }
0x3f: {  	[sflag:s10] =	ssyncadd.s32 $0xFFFFE000  }
0x40: {  	s17 =	sadd.s32 $0x1, s17;
	_ =	swait.ge [sflag:s15], $0x2000  }
0x41: {  	p0 =	sne.s32 s17, s5;
	[sflag:s15] =	ssyncset.done $0x0  }
.Ltmp1:
0x42: {  	[sflag:s15] =	ssyncadd.s32 $0xFFFFE000;
	(pc) =	sbr.rel @p0 .LBB2_1-.Ltmp1, $4  }
0x43: {  	[hbm4b:s7+s2] =	stream.linear.scatter [tilespmem:s13], [sflag:$0x3], $0x2000, $0x38;
	[tilespmem:$0x5900] =	vst v63  }
0x44: {  	_ =	swait.ge [sflag:s10], $0x2000  }
0x45: {  	[sflag:s10] =	ssyncset.done $0x0  }
0x46: {  	[sflag:s10] =	ssyncadd.s32 $0xFFFFE000  }
0x47: {  	_ =	sfence.sel $0x180000  }
0x48: {  	[bflag:$0x0] =	sbarrier.arrive $0xFFFF  }
0x49: {  	p0 =	sne.s32 s1, $0x0;
	_ =	strace $0x90000047  }
0x4a: {  	s0 =	sadd.s32 @!p0 $0x100000, s0;
	[bflag:$0x2] =	sbarrier.arrive $0xFFFF  }
0x4b: {  	[sflag:s0] =	ssyncadd.tile.s32 @!p0 $0x1;
	_ =	shalt  }
.Lfunc_end2:
_tile_overlayer_lowered:
.L_overlay_start_2:
0x4c: {  	(tag) =	ssettag $0x2  }
0x4d: {  	s0 =	rddreg [dreg:$0x0];
	s2 =	stileid.u32  }
0x4e: {  	s1 =	rddreg [dreg:$0x1];
	p0 =	sne.s32 s2, $0x0  }
0x4f: {  	s3 =	rddreg [dreg:$0x2];
	[bflag:$0x3] =	sbarrier.arrive $0xFFFF;
	s2 =	simm.s32 @!p0 $0x1C03  }
0x50: {  	[timem:s3], [sflag:s2] =	dma.local @!p0 [hbm:s0], s1  }
0x51: {  	s0 =	simm.s32 @!p0 $0x3  }
0x52: {  	_ =	swait.ge @!p0 [sflag:s0], s1  }
0x53: {  	s1 =	ssub.s32 @!p0 $0x0, s1;
	[sflag:s0] =	ssyncset.done @!p0 $0x0  }
0x54: {  	[sflag:s0] =	ssyncadd.s32 @!p0 s1  }
0x55: {  	[bflag:$0x3] =	sbarrier.arrive $0xFFFF  }
0x56: {  	_ =	shalt  }

</sc_bundles>
